<compile_context>
chip_gen: v7x
topology: tpu7x:2x2x1
jax: 0.10.2.dev20260603
libtpu: 0.0.44.dev20260713+nightly
codegen_flags: <defaults>
</compile_context>

<pallas_src>
import jax
import jax.numpy as jnp
from jax import lax
from jax.experimental import pallas as pl
from jax.experimental.pallas import tpu as pltpu
from jax.experimental.pallas import tpu_sc as plsc

L = 20
BATCH = 16384

_NC = 2
_NS = 16
_NW = _NC * _NS
_ROWS = BATCH // _NW
_CHUNK = 128
_NCHUNK = _ROWS // _CHUNK
_GROUPS = _CHUNK // 16


def _ewf_body(xt_hbm, aux_hbm, out_hbm, x_v, idx_v, rows_v, xsem, xsem2, gsem):
    wid = lax.axis_index("s") * _NC + lax.axis_index("c")
    base = wid * _ROWS

    xcp0 = pltpu.async_copy(
        xt_hbm.at[:, pl.ds(base, _CHUNK)], x_v.at[:, pl.ds(0, _CHUNK)], xsem
    )
    xcp1 = pltpu.async_copy(
        xt_hbm.at[:, pl.ds(base + _CHUNK, _ROWS - _CHUNK)],
        x_v.at[:, pl.ds(_CHUNK, _ROWS - _CHUNK)],
        xsem2,
    )

    half = jnp.full((16,), (2.0 ** L - 1.0) / 2.0, dtype=jnp.float32)
    xcp0.wait()

    def chunk(c, carry):
        @pl.when(c == 1)
        def _():
            xcp1.wait()

        @plsc.parallel_loop(0, _GROUPS, unroll=1)
        def group(g):
            off = c * _CHUNK + g * 16
            accs = [jnp.zeros((16,), jnp.float32) for _ in range(4)]
            for i in range(L):
                v = x_v[i, pl.ds(off, 16)]
                accs[i % 4] = accs[i % 4] + v * (2.0 ** (L - 2 - i))
            acc = (accs[0] + accs[1]) + (accs[2] + accs[3]) + half
            idx_v[pl.ds(off, 16)] = acc.astype(jnp.int32)

        pltpu.async_copy(
            aux_hbm.at[idx_v.at[pl.ds(c * _CHUNK, _CHUNK)]],
            rows_v.at[pl.ds(c * _CHUNK, _CHUNK)],
            gsem,
        )
        return carry

    lax.fori_loop(0, _NCHUNK, chunk, 0)

    pltpu.make_async_copy(aux_hbm.at[idx_v], rows_v, gsem).wait()

    pltpu.sync_copy(rows_v, out_hbm.at[pl.ds(base, _ROWS)])


@jax.jit
def _ewf(x, aux):
    mesh = plsc.VectorSubcoreMesh(
        core_axis_name="c", subcore_axis_name="s",
        num_cores=_NC, num_subcores=_NS,
    )
    return pl.kernel(
        _ewf_body,
        out_type=jax.ShapeDtypeStruct((BATCH,), jnp.float32),
        mesh=mesh,
        scratch_types=[
            pltpu.VMEM((L, _ROWS), jnp.float32),
            pltpu.VMEM((_ROWS,), jnp.int32),
            pltpu.VMEM((_ROWS,), jnp.float32),
            pltpu.SemaphoreType.DMA,
            pltpu.SemaphoreType.DMA,
            pltpu.SemaphoreType.DMA,
        ],
        compiler_params=pltpu.CompilerParams(
            needs_layout_passes=False, skip_device_barrier=True
        ),
    )(x.T, aux)


def kernel(x, aux, j1):
    del j1
    return _ewf(x, aux)

# --- scband reference (transcript-rebuilt; emitter-appended) ---
"""Pipeline reference for scband-ewf-34651796144311 (READ-ONLY COPY).

The authoritative reference and input builder live on the scoring server;
editing this copy changes nothing except your own understanding.
"""

import jax, jax.numpy as jnp
import numpy as np

L = 20
VOCAB = 2 ** L
BATCH = 16384


def change_to_int(x, L):
    Aux = jnp.array([2 ** (L - 1 - i) for i in range(L)], dtype=jnp.int32)
    Z = (jnp.mod(1 + x, 3) / 2).astype(jnp.int32)
    return jnp.sum(Aux * Z, axis=-1)


def setup_inputs(seed: int = 0) -> dict:
    key = jax.random.key(seed)
    k1, k2, k3 = jax.random.split(key, 3)
    bits = jax.random.randint(k1, (BATCH, L), 0, 2)
    # spin configuration in {-1, +1}; change_to_int maps -1 -> bit 0, +1 -> bit 1
    x = (2 * bits - 1).astype(jnp.float32)
    # eig_vec: the full 2^L-entry eigenvector amplitude table (constructor arg materialized as array)
    aux = jax.random.normal(k2, (VOCAB,), dtype=jnp.float32)
    # j1: learned param declared in setup() (unused in __call__, kept for faithfulness)
    j1 = jax.random.normal(k3, (1,), dtype=jnp.float32) * 0.01
    return {"x": x, "aux": aux, "j1": j1}


def reference(x, aux, j1):
    indices = change_to_int(x, L)
    # faithful vectorization of: A = [aux[idx] for idx in indices]; jnp.array(A)
    return jnp.take(aux, indices, axis=0)

if __name__ == "__main__":
    import jax
    _d = setup_inputs()
    print(jax.jit(kernel)(*tuple(_d.values())))

</pallas_src>

<mosaic_0001>
#map = affine_map<(d0, d1) -> (0, 0)>
#map1 = affine_map<(d0, d1) -> (0)>
module attributes {stable_mosaic.version = 14 : i64} {
  func.func @_ewf_body(%arg0: i32, %arg1: i32, %arg2: memref<20x16384xf32, #tpu.memory_space<hbm>>, %arg3: memref<1048576xf32, #tpu.memory_space<hbm>>, %arg4: memref<16384xf32, #tpu.memory_space<hbm>>, %arg5: memref<20x512xf32, #tpu.memory_space<vmem>>, %arg6: memref<512xi32, #tpu.memory_space<vmem>>, %arg7: memref<512xf32, #tpu.memory_space<vmem>>, %arg8: memref<!tpu.dma_semaphore, #tpu.memory_space<semaphore_mem>>, %arg9: memref<!tpu.dma_semaphore, #tpu.memory_space<semaphore_mem>>, %arg10: memref<!tpu.dma_semaphore, #tpu.memory_space<semaphore_mem>>) attributes {dimension_semantics = [#tpu.dimension_semantics<core_parallel>, #tpu.dimension_semantics<subcore_parallel>], iteration_bounds = array<i64: 2, 16>, scalar_prefetch = 0 : i64, scratch_operands = 6 : i64, tpu.core_type = #tpu.core_type<sc_vector_subcore>, window_params = [{transform_indices = #map}, {transform_indices = #map1}, {transform_indices = #map1}]} {
    %mul3A = arith.constant 2 : i32
    %mul3A_0 = arith.muli %arg1, %mul3A : i32
    %add3A = arith.addi %mul3A_0, %arg0 : i32
    %mul3A_1 = arith.constant 512 : i32
    %mul3A_2 = arith.muli %add3A, %mul3A_1 : i32
    %dma_start3A = arith.constant 0 : i32
    %dma_start3A_3 = arith.constant 0 : i32
    %dma_start3A_4 = tpu.memref_slice %arg5[%dma_start3A, %dma_start3A_3] : memref<20x512xf32, #tpu.memory_space<vmem>> -> memref<20x128xf32, #tpu.memory_space<vmem>>
    %dma_start3A_5 = arith.constant 0 : i32
    %dma_start3A_6 = tpu.memref_slice %arg2[%dma_start3A_5, %mul3A_2] : memref<20x16384xf32, #tpu.memory_space<hbm>> -> memref<20x128xf32, #tpu.memory_space<hbm>>
    %dma_start3A_7 = arith.constant 0 : i32
    %dma_start3A_8 = arith.constant 0 : i32
    %dma_start3A_9 = tpu.memref_slice %arg5[%dma_start3A_7, %dma_start3A_8] : memref<20x512xf32, #tpu.memory_space<vmem>> -> memref<20x128xf32, #tpu.memory_space<vmem>>
    %dma_start3A_10 = arith.constant 0 : i32
    %dma_start3A_11 = tpu.memref_slice %arg2[%dma_start3A_10, %mul3A_2] : memref<20x16384xf32, #tpu.memory_space<hbm>> -> memref<20x128xf32, #tpu.memory_space<hbm>>
    tpu.enqueue_dma source(%dma_start3A_11 : memref<20x128xf32, #tpu.memory_space<hbm>>) target(%dma_start3A_9 : memref<20x128xf32, #tpu.memory_space<vmem>>) target_semaphore(%arg8 : memref<!tpu.dma_semaphore, #tpu.memory_space<semaphore_mem>>)
    %add3A_12 = arith.constant 128 : i32
    %add3A_13 = arith.addi %mul3A_2, %add3A_12 : i32
    %dma_start3A_14 = arith.constant 0 : i32
    %dma_start3A_15 = arith.constant 128 : i32
    %dma_start3A_16 = tpu.memref_slice %arg5[%dma_start3A_14, %dma_start3A_15] : memref<20x512xf32, #tpu.memory_space<vmem>> -> memref<20x384xf32, #tpu.memory_space<vmem>>
    %dma_start3A_17 = arith.constant 0 : i32
    %dma_start3A_18 = tpu.memref_slice %arg2[%dma_start3A_17, %add3A_13] : memref<20x16384xf32, #tpu.memory_space<hbm>> -> memref<20x384xf32, #tpu.memory_space<hbm>>
    %dma_start3A_19 = arith.constant 0 : i32
    %dma_start3A_20 = arith.constant 128 : i32
    %dma_start3A_21 = tpu.memref_slice %arg5[%dma_start3A_19, %dma_start3A_20] : memref<20x512xf32, #tpu.memory_space<vmem>> -> memref<20x384xf32, #tpu.memory_space<vmem>>
    %dma_start3A_22 = arith.constant 0 : i32
    %dma_start3A_23 = tpu.memref_slice %arg2[%dma_start3A_22, %add3A_13] : memref<20x16384xf32, #tpu.memory_space<hbm>> -> memref<20x384xf32, #tpu.memory_space<hbm>>
    tpu.enqueue_dma source(%dma_start3A_23 : memref<20x384xf32, #tpu.memory_space<hbm>>) target(%dma_start3A_21 : memref<20x384xf32, #tpu.memory_space<vmem>>) target_semaphore(%arg9 : memref<!tpu.dma_semaphore, #tpu.memory_space<semaphore_mem>>)
    %broadcast_in_dim3A = arith.constant 524287.5 : f32
    %broadcast_in_dim3A_24 = vector.broadcast %broadcast_in_dim3A : f32 to vector<16xf32>
    %dma_wait3A = arith.constant 0 : i32
    %dma_wait3A_25 = arith.constant 0 : i32
    %dma_wait3A_26 = tpu.memref_slice %arg5[%dma_wait3A, %dma_wait3A_25] : memref<20x512xf32, #tpu.memory_space<vmem>> -> memref<20x128xf32, #tpu.memory_space<vmem>>
    %dma_wait3A_27 = arith.constant 0 : i32
    %dma_wait3A_28 = tpu.memref_slice %arg2[%dma_wait3A_27, %mul3A_2] : memref<20x16384xf32, #tpu.memory_space<hbm>> -> memref<20x128xf32, #tpu.memory_space<hbm>>
    %dma_wait3A_29 = arith.constant 0 : i32
    %dma_wait3A_30 = arith.constant 0 : i32
    %dma_wait3A_31 = tpu.memref_slice %arg5[%dma_wait3A_29, %dma_wait3A_30] : memref<20x512xf32, #tpu.memory_space<vmem>> -> memref<20x128xf32, #tpu.memory_space<vmem>>
    %dma_wait3A_32 = arith.constant 0 : i32
    %dma_wait3A_33 = tpu.memref_slice %arg2[%dma_wait3A_32, %mul3A_2] : memref<20x16384xf32, #tpu.memory_space<hbm>> -> memref<20x128xf32, #tpu.memory_space<hbm>>
    tpu.wait_dma2 semaphore(%arg8 : memref<!tpu.dma_semaphore, #tpu.memory_space<semaphore_mem>>) src(%dma_wait3A_33 : memref<20x128xf32, #tpu.memory_space<hbm>>) dst(%dma_wait3A_31 : memref<20x128xf32, #tpu.memory_space<vmem>>)
    %scan3A = arith.constant 0 : i32
    %scan3A_34 = arith.constant 0 : i32
    %scan3A_35 = arith.constant 4 : i32
    %scan3A_36 = arith.addi %scan3A_34, %scan3A_35 : i32
    %scan3A_37 = arith.constant 1 : i32
    scf.for %scan3A_41 = %scan3A_34 to %scan3A_36 step %scan3A_37  : i32 {
      %eq3A = arith.constant 1 : i32
      %eq3A_42 = arith.cmpi eq, %scan3A_41, %eq3A : i32
      %convert_element_type3A = arith.extui %eq3A_42 : i1 to i32
      %cond3A = arith.constant 0 : i32
      %cond3A_43 = arith.cmpi ne, %convert_element_type3A, %cond3A : i32
      scf.if %cond3A_43 {
        %dma_wait3A_54 = arith.constant 0 : i32
        %dma_wait3A_55 = arith.constant 128 : i32
        %dma_wait3A_56 = tpu.memref_slice %arg5[%dma_wait3A_54, %dma_wait3A_55] : memref<20x512xf32, #tpu.memory_space<vmem>> -> memref<20x384xf32, #tpu.memory_space<vmem>>
        %dma_wait3A_57 = arith.constant 0 : i32
        %dma_wait3A_58 = tpu.memref_slice %arg2[%dma_wait3A_57, %add3A_13] : memref<20x16384xf32, #tpu.memory_space<hbm>> -> memref<20x384xf32, #tpu.memory_space<hbm>>
        %dma_wait3A_59 = arith.constant 0 : i32
        %dma_wait3A_60 = arith.constant 128 : i32
        %dma_wait3A_61 = tpu.memref_slice %arg5[%dma_wait3A_59, %dma_wait3A_60] : memref<20x512xf32, #tpu.memory_space<vmem>> -> memref<20x384xf32, #tpu.memory_space<vmem>>
        %dma_wait3A_62 = arith.constant 0 : i32
        %dma_wait3A_63 = tpu.memref_slice %arg2[%dma_wait3A_62, %add3A_13] : memref<20x16384xf32, #tpu.memory_space<hbm>> -> memref<20x384xf32, #tpu.memory_space<hbm>>
        tpu.wait_dma2 semaphore(%arg9 : memref<!tpu.dma_semaphore, #tpu.memory_space<semaphore_mem>>) src(%dma_wait3A_63 : memref<20x384xf32, #tpu.memory_space<hbm>>) dst(%dma_wait3A_61 : memref<20x384xf32, #tpu.memory_space<vmem>>)
      } else {
      }
      %parallel_loop3A = arith.constant 0 : i32
      %parallel_loop3A_44 = arith.constant 8 : i32
      %parallel_loop3A_45 = arith.constant 1 : i32
      scf.for %parallel_loop3A_54 = %parallel_loop3A to %parallel_loop3A_44 step %parallel_loop3A_45  : i32 {
        %parallel_loop3A_55 = arith.constant 128 : i32
        %parallel_loop3A_56 = arith.muli %scan3A_41, %parallel_loop3A_55 : i32
        %parallel_loop3A_57 = arith.constant 16 : i32
        %parallel_loop3A_58 = arith.muli %parallel_loop3A_54, %parallel_loop3A_57 : i32
        %parallel_loop3A_59 = arith.addi %parallel_loop3A_56, %parallel_loop3A_58 : i32
        %parallel_loop3A_60 = arith.constant 0.000000e+00 : f32
        %parallel_loop3A_61 = vector.broadcast %parallel_loop3A_60 : f32 to vector<16xf32>
        %parallel_loop3A_62 = arith.constant 0.000000e+00 : f32
        %parallel_loop3A_63 = vector.broadcast %parallel_loop3A_62 : f32 to vector<16xf32>
        %parallel_loop3A_64 = arith.constant 0.000000e+00 : f32
        %parallel_loop3A_65 = vector.broadcast %parallel_loop3A_64 : f32 to vector<16xf32>
        %parallel_loop3A_66 = arith.constant 0.000000e+00 : f32
        %parallel_loop3A_67 = vector.broadcast %parallel_loop3A_66 : f32 to vector<16xf32>
        %parallel_loop3A_68 = arith.constant 0 : i32
        %parallel_loop3A_69 = arith.index_cast %parallel_loop3A_68 : i32 to index
        %parallel_loop3A_70 = arith.index_cast %parallel_loop3A_59 : i32 to index
        %parallel_loop3A_71 = tpu.vector_load %arg5[%parallel_loop3A_69, %parallel_loop3A_70] {strides = array<i32>} : memref<20x512xf32, #tpu.memory_space<vmem>>, vector<16xf32>,
        %parallel_loop3A_72 = arith.constant 2.621440e+05 : f32
        %parallel_loop3A_73 = vector.broadcast %parallel_loop3A_72 : f32 to vector<16xf32>
        %parallel_loop3A_74 = arith.mulf %parallel_loop3A_71, %parallel_loop3A_73 : vector<16xf32>
        %parallel_loop3A_75 = arith.addf %parallel_loop3A_61, %parallel_loop3A_74 : vector<16xf32>
        %parallel_loop3A_76 = arith.constant 1 : i32
        %parallel_loop3A_77 = arith.index_cast %parallel_loop3A_76 : i32 to index
        %parallel_loop3A_78 = arith.index_cast %parallel_loop3A_59 : i32 to index
        %parallel_loop3A_79 = tpu.vector_load %arg5[%parallel_loop3A_77, %parallel_loop3A_78] {strides = array<i32>} : memref<20x512xf32, #tpu.memory_space<vmem>>, vector<16xf32>,
        %parallel_loop3A_80 = arith.constant 1.310720e+05 : f32
        %parallel_loop3A_81 = vector.broadcast %parallel_loop3A_80 : f32 to vector<16xf32>
        %parallel_loop3A_82 = arith.mulf %parallel_loop3A_79, %parallel_loop3A_81 : vector<16xf32>
        %parallel_loop3A_83 = arith.addf %parallel_loop3A_63, %parallel_loop3A_82 : vector<16xf32>
        %parallel_loop3A_84 = arith.constant 2 : i32
        %parallel_loop3A_85 = arith.index_cast %parallel_loop3A_84 : i32 to index
        %parallel_loop3A_86 = arith.index_cast %parallel_loop3A_59 : i32 to index
        %parallel_loop3A_87 = tpu.vector_load %arg5[%parallel_loop3A_85, %parallel_loop3A_86] {strides = array<i32>} : memref<20x512xf32, #tpu.memory_space<vmem>>, vector<16xf32>,
        %parallel_loop3A_88 = arith.constant 6.553600e+04 : f32
        %parallel_loop3A_89 = vector.broadcast %parallel_loop3A_88 : f32 to vector<16xf32>
        %parallel_loop3A_90 = arith.mulf %parallel_loop3A_87, %parallel_loop3A_89 : vector<16xf32>
        %parallel_loop3A_91 = arith.addf %parallel_loop3A_65, %parallel_loop3A_90 : vector<16xf32>
        %parallel_loop3A_92 = arith.constant 3 : i32
        %parallel_loop3A_93 = arith.index_cast %parallel_loop3A_92 : i32 to index
        %parallel_loop3A_94 = arith.index_cast %parallel_loop3A_59 : i32 to index
        %parallel_loop3A_95 = tpu.vector_load %arg5[%parallel_loop3A_93, %parallel_loop3A_94] {strides = array<i32>} : memref<20x512xf32, #tpu.memory_space<vmem>>, vector<16xf32>,
        %parallel_loop3A_96 = arith.constant 3.276800e+04 : f32
        %parallel_loop3A_97 = vector.broadcast %parallel_loop3A_96 : f32 to vector<16xf32>
        %parallel_loop3A_98 = arith.mulf %parallel_loop3A_95, %parallel_loop3A_97 : vector<16xf32>
        %parallel_loop3A_99 = arith.addf %parallel_loop3A_67, %parallel_loop3A_98 : vector<16xf32>
        %parallel_loop3A_100 = arith.constant 4 : i32
        %parallel_loop3A_101 = arith.index_cast %parallel_loop3A_100 : i32 to index
        %parallel_loop3A_102 = arith.index_cast %parallel_loop3A_59 : i32 to index
        %parallel_loop3A_103 = tpu.vector_load %arg5[%parallel_loop3A_101, %parallel_loop3A_102] {strides = array<i32>} : memref<20x512xf32, #tpu.memory_space<vmem>>, vector<16xf32>,
        %parallel_loop3A_104 = arith.constant 1.638400e+04 : f32
        %parallel_loop3A_105 = vector.broadcast %parallel_loop3A_104 : f32 to vector<16xf32>
        %parallel_loop3A_106 = arith.mulf %parallel_loop3A_103, %parallel_loop3A_105 : vector<16xf32>
        %parallel_loop3A_107 = arith.addf %parallel_loop3A_75, %parallel_loop3A_106 : vector<16xf32>
        %parallel_loop3A_108 = arith.constant 5 : i32
        %parallel_loop3A_109 = arith.index_cast %parallel_loop3A_108 : i32 to index
        %parallel_loop3A_110 = arith.index_cast %parallel_loop3A_59 : i32 to index
        %parallel_loop3A_111 = tpu.vector_load %arg5[%parallel_loop3A_109, %parallel_loop3A_110] {strides = array<i32>} : memref<20x512xf32, #tpu.memory_space<vmem>>, vector<16xf32>,
        %parallel_loop3A_112 = arith.constant 8.192000e+03 : f32
        %parallel_loop3A_113 = vector.broadcast %parallel_loop3A_112 : f32 to vector<16xf32>
        %parallel_loop3A_114 = arith.mulf %parallel_loop3A_111, %parallel_loop3A_113 : vector<16xf32>
        %parallel_loop3A_115 = arith.addf %parallel_loop3A_83, %parallel_loop3A_114 : vector<16xf32>
        %parallel_loop3A_116 = arith.constant 6 : i32
        %parallel_loop3A_117 = arith.index_cast %parallel_loop3A_116 : i32 to index
        %parallel_loop3A_118 = arith.index_cast %parallel_loop3A_59 : i32 to index
        %parallel_loop3A_119 = tpu.vector_load %arg5[%parallel_loop3A_117, %parallel_loop3A_118] {strides = array<i32>} : memref<20x512xf32, #tpu.memory_space<vmem>>, vector<16xf32>,
        %parallel_loop3A_120 = arith.constant 4.096000e+03 : f32
        %parallel_loop3A_121 = vector.broadcast %parallel_loop3A_120 : f32 to vector<16xf32>
        %parallel_loop3A_122 = arith.mulf %parallel_loop3A_119, %parallel_loop3A_121 : vector<16xf32>
        %parallel_loop3A_123 = arith.addf %parallel_loop3A_91, %parallel_loop3A_122 : vector<16xf32>
        %parallel_loop3A_124 = arith.constant 7 : i32
        %parallel_loop3A_125 = arith.index_cast %parallel_loop3A_124 : i32 to index
        %parallel_loop3A_126 = arith.index_cast %parallel_loop3A_59 : i32 to index
        %parallel_loop3A_127 = tpu.vector_load %arg5[%parallel_loop3A_125, %parallel_loop3A_126] {strides = array<i32>} : memref<20x512xf32, #tpu.memory_space<vmem>>, vector<16xf32>,
        %parallel_loop3A_128 = arith.constant 2.048000e+03 : f32
        %parallel_loop3A_129 = vector.broadcast %parallel_loop3A_128 : f32 to vector<16xf32>
        %parallel_loop3A_130 = arith.mulf %parallel_loop3A_127, %parallel_loop3A_129 : vector<16xf32>
        %parallel_loop3A_131 = arith.addf %parallel_loop3A_99, %parallel_loop3A_130 : vector<16xf32>
        %parallel_loop3A_132 = arith.constant 8 : i32
        %parallel_loop3A_133 = arith.index_cast %parallel_loop3A_132 : i32 to index
        %parallel_loop3A_134 = arith.index_cast %parallel_loop3A_59 : i32 to index
        %parallel_loop3A_135 = tpu.vector_load %arg5[%parallel_loop3A_133, %parallel_loop3A_134] {strides = array<i32>} : memref<20x512xf32, #tpu.memory_space<vmem>>, vector<16xf32>,
        %parallel_loop3A_136 = arith.constant 1.024000e+03 : f32
        %parallel_loop3A_137 = vector.broadcast %parallel_loop3A_136 : f32 to vector<16xf32>
        %parallel_loop3A_138 = arith.mulf %parallel_loop3A_135, %parallel_loop3A_137 : vector<16xf32>
        %parallel_loop3A_139 = arith.addf %parallel_loop3A_107, %parallel_loop3A_138 : vector<16xf32>
        %parallel_loop3A_140 = arith.constant 9 : i32
        %parallel_loop3A_141 = arith.index_cast %parallel_loop3A_140 : i32 to index
        %parallel_loop3A_142 = arith.index_cast %parallel_loop3A_59 : i32 to index
        %parallel_loop3A_143 = tpu.vector_load %arg5[%parallel_loop3A_141, %parallel_loop3A_142] {strides = array<i32>} : memref<20x512xf32, #tpu.memory_space<vmem>>, vector<16xf32>,
        %parallel_loop3A_144 = arith.constant 5.120000e+02 : f32
        %parallel_loop3A_145 = vector.broadcast %parallel_loop3A_144 : f32 to vector<16xf32>
        %parallel_loop3A_146 = arith.mulf %parallel_loop3A_143, %parallel_loop3A_145 : vector<16xf32>
        %parallel_loop3A_147 = arith.addf %parallel_loop3A_115, %parallel_loop3A_146 : vector<16xf32>
        %parallel_loop3A_148 = arith.constant 10 : i32
        %parallel_loop3A_149 = arith.index_cast %parallel_loop3A_148 : i32 to index
        %parallel_loop3A_150 = arith.index_cast %parallel_loop3A_59 : i32 to index
        %parallel_loop3A_151 = tpu.vector_load %arg5[%parallel_loop3A_149, %parallel_loop3A_150] {strides = array<i32>} : memref<20x512xf32, #tpu.memory_space<vmem>>, vector<16xf32>,
        %parallel_loop3A_152 = arith.constant 2.560000e+02 : f32
        %parallel_loop3A_153 = vector.broadcast %parallel_loop3A_152 : f32 to vector<16xf32>
        %parallel_loop3A_154 = arith.mulf %parallel_loop3A_151, %parallel_loop3A_153 : vector<16xf32>
        %parallel_loop3A_155 = arith.addf %parallel_loop3A_123, %parallel_loop3A_154 : vector<16xf32>
        %parallel_loop3A_156 = arith.constant 11 : i32
        %parallel_loop3A_157 = arith.index_cast %parallel_loop3A_156 : i32 to index
        %parallel_loop3A_158 = arith.index_cast %parallel_loop3A_59 : i32 to index
        %parallel_loop3A_159 = tpu.vector_load %arg5[%parallel_loop3A_157, %parallel_loop3A_158] {strides = array<i32>} : memref<20x512xf32, #tpu.memory_space<vmem>>, vector<16xf32>,
        %parallel_loop3A_160 = arith.constant 1.280000e+02 : f32
        %parallel_loop3A_161 = vector.broadcast %parallel_loop3A_160 : f32 to vector<16xf32>
        %parallel_loop3A_162 = arith.mulf %parallel_loop3A_159, %parallel_loop3A_161 : vector<16xf32>
        %parallel_loop3A_163 = arith.addf %parallel_loop3A_131, %parallel_loop3A_162 : vector<16xf32>
        %parallel_loop3A_164 = arith.constant 12 : i32
        %parallel_loop3A_165 = arith.index_cast %parallel_loop3A_164 : i32 to index
        %parallel_loop3A_166 = arith.index_cast %parallel_loop3A_59 : i32 to index
        %parallel_loop3A_167 = tpu.vector_load %arg5[%parallel_loop3A_165, %parallel_loop3A_166] {strides = array<i32>} : memref<20x512xf32, #tpu.memory_space<vmem>>, vector<16xf32>,
        %parallel_loop3A_168 = arith.constant 6.400000e+01 : f32
        %parallel_loop3A_169 = vector.broadcast %parallel_loop3A_168 : f32 to vector<16xf32>
        %parallel_loop3A_170 = arith.mulf %parallel_loop3A_167, %parallel_loop3A_169 : vector<16xf32>
        %parallel_loop3A_171 = arith.addf %parallel_loop3A_139, %parallel_loop3A_170 : vector<16xf32>
        %parallel_loop3A_172 = arith.constant 13 : i32
        %parallel_loop3A_173 = arith.index_cast %parallel_loop3A_172 : i32 to index
        %parallel_loop3A_174 = arith.index_cast %parallel_loop3A_59 : i32 to index
        %parallel_loop3A_175 = tpu.vector_load %arg5[%parallel_loop3A_173, %parallel_loop3A_174] {strides = array<i32>} : memref<20x512xf32, #tpu.memory_space<vmem>>, vector<16xf32>,
        %parallel_loop3A_176 = arith.constant 3.200000e+01 : f32
        %parallel_loop3A_177 = vector.broadcast %parallel_loop3A_176 : f32 to vector<16xf32>
        %parallel_loop3A_178 = arith.mulf %parallel_loop3A_175, %parallel_loop3A_177 : vector<16xf32>
        %parallel_loop3A_179 = arith.addf %parallel_loop3A_147, %parallel_loop3A_178 : vector<16xf32>
        %parallel_loop3A_180 = arith.constant 14 : i32
        %parallel_loop3A_181 = arith.index_cast %parallel_loop3A_180 : i32 to index
        %parallel_loop3A_182 = arith.index_cast %parallel_loop3A_59 : i32 to index
        %parallel_loop3A_183 = tpu.vector_load %arg5[%parallel_loop3A_181, %parallel_loop3A_182] {strides = array<i32>} : memref<20x512xf32, #tpu.memory_space<vmem>>, vector<16xf32>,
        %parallel_loop3A_184 = arith.constant 1.600000e+01 : f32
        %parallel_loop3A_185 = vector.broadcast %parallel_loop3A_184 : f32 to vector<16xf32>
        %parallel_loop3A_186 = arith.mulf %parallel_loop3A_183, %parallel_loop3A_185 : vector<16xf32>
        %parallel_loop3A_187 = arith.addf %parallel_loop3A_155, %parallel_loop3A_186 : vector<16xf32>
        %parallel_loop3A_188 = arith.constant 15 : i32
        %parallel_loop3A_189 = arith.index_cast %parallel_loop3A_188 : i32 to index
        %parallel_loop3A_190 = arith.index_cast %parallel_loop3A_59 : i32 to index
        %parallel_loop3A_191 = tpu.vector_load %arg5[%parallel_loop3A_189, %parallel_loop3A_190] {strides = array<i32>} : memref<20x512xf32, #tpu.memory_space<vmem>>, vector<16xf32>,
        %parallel_loop3A_192 = arith.constant 8.000000e+00 : f32
        %parallel_loop3A_193 = vector.broadcast %parallel_loop3A_192 : f32 to vector<16xf32>
        %parallel_loop3A_194 = arith.mulf %parallel_loop3A_191, %parallel_loop3A_193 : vector<16xf32>
        %parallel_loop3A_195 = arith.addf %parallel_loop3A_163, %parallel_loop3A_194 : vector<16xf32>
        %parallel_loop3A_196 = arith.constant 16 : i32
        %parallel_loop3A_197 = arith.index_cast %parallel_loop3A_196 : i32 to index
        %parallel_loop3A_198 = arith.index_cast %parallel_loop3A_59 : i32 to index
        %parallel_loop3A_199 = tpu.vector_load %arg5[%parallel_loop3A_197, %parallel_loop3A_198] {strides = array<i32>} : memref<20x512xf32, #tpu.memory_space<vmem>>, vector<16xf32>,
        %parallel_loop3A_200 = arith.constant 4.000000e+00 : f32
        %parallel_loop3A_201 = vector.broadcast %parallel_loop3A_200 : f32 to vector<16xf32>
        %parallel_loop3A_202 = arith.mulf %parallel_loop3A_199, %parallel_loop3A_201 : vector<16xf32>
        %parallel_loop3A_203 = arith.addf %parallel_loop3A_171, %parallel_loop3A_202 : vector<16xf32>
        %parallel_loop3A_204 = arith.constant 17 : i32
        %parallel_loop3A_205 = arith.index_cast %parallel_loop3A_204 : i32 to index
        %parallel_loop3A_206 = arith.index_cast %parallel_loop3A_59 : i32 to index
        %parallel_loop3A_207 = tpu.vector_load %arg5[%parallel_loop3A_205, %parallel_loop3A_206] {strides = array<i32>} : memref<20x512xf32, #tpu.memory_space<vmem>>, vector<16xf32>,
        %parallel_loop3A_208 = arith.constant 2.000000e+00 : f32
        %parallel_loop3A_209 = vector.broadcast %parallel_loop3A_208 : f32 to vector<16xf32>
        %parallel_loop3A_210 = arith.mulf %parallel_loop3A_207, %parallel_loop3A_209 : vector<16xf32>
        %parallel_loop3A_211 = arith.addf %parallel_loop3A_179, %parallel_loop3A_210 : vector<16xf32>
        %parallel_loop3A_212 = arith.constant 18 : i32
        %parallel_loop3A_213 = arith.index_cast %parallel_loop3A_212 : i32 to index
        %parallel_loop3A_214 = arith.index_cast %parallel_loop3A_59 : i32 to index
        %parallel_loop3A_215 = tpu.vector_load %arg5[%parallel_loop3A_213, %parallel_loop3A_214] {strides = array<i32>} : memref<20x512xf32, #tpu.memory_space<vmem>>, vector<16xf32>,
        %parallel_loop3A_216 = arith.constant 1.000000e+00 : f32
        %parallel_loop3A_217 = vector.broadcast %parallel_loop3A_216 : f32 to vector<16xf32>
        %parallel_loop3A_218 = arith.mulf %parallel_loop3A_215, %parallel_loop3A_217 : vector<16xf32>
        %parallel_loop3A_219 = arith.addf %parallel_loop3A_187, %parallel_loop3A_218 : vector<16xf32>
        %parallel_loop3A_220 = arith.constant 19 : i32
        %parallel_loop3A_221 = arith.index_cast %parallel_loop3A_220 : i32 to index
        %parallel_loop3A_222 = arith.index_cast %parallel_loop3A_59 : i32 to index
        %parallel_loop3A_223 = tpu.vector_load %arg5[%parallel_loop3A_221, %parallel_loop3A_222] {strides = array<i32>} : memref<20x512xf32, #tpu.memory_space<vmem>>, vector<16xf32>,
        %parallel_loop3A_224 = arith.constant 5.000000e-01 : f32
        %parallel_loop3A_225 = vector.broadcast %parallel_loop3A_224 : f32 to vector<16xf32>
        %parallel_loop3A_226 = arith.mulf %parallel_loop3A_223, %parallel_loop3A_225 : vector<16xf32>
        %parallel_loop3A_227 = arith.addf %parallel_loop3A_195, %parallel_loop3A_226 : vector<16xf32>
        %parallel_loop3A_228 = arith.addf %parallel_loop3A_203, %parallel_loop3A_211 : vector<16xf32>
        %parallel_loop3A_229 = arith.addf %parallel_loop3A_219, %parallel_loop3A_227 : vector<16xf32>
        %parallel_loop3A_230 = arith.addf %parallel_loop3A_228, %parallel_loop3A_229 : vector<16xf32>
        %parallel_loop3A_231 = arith.addf %parallel_loop3A_230, %broadcast_in_dim3A_24 : vector<16xf32>
        %parallel_loop3A_232 = arith.fptosi %parallel_loop3A_231 : vector<16xf32> to vector<16xi32>
        %parallel_loop3A_233 = arith.index_cast %parallel_loop3A_59 : i32 to index
        %parallel_loop3A_234 = tpu.vector_load %arg6[%parallel_loop3A_233] {strides = array<i32>} : memref<512xi32, #tpu.memory_space<vmem>>, vector<16xi32>,
        tpu.vector_store %arg6[%parallel_loop3A_233], %parallel_loop3A_232 {strides = array<i32>} : memref<512xi32, #tpu.memory_space<vmem>>, vector<16xi32>,
      } {sc.loop_unroll_factor = 1 : i64, sc.parallel_access}
      %mul3A_46 = arith.constant 128 : i32
      %mul3A_47 = arith.muli %scan3A_41, %mul3A_46 : i32
      %mul3A_48 = arith.constant 128 : i32
      %mul3A_49 = arith.muli %scan3A_41, %mul3A_48 : i32
      %dma_start3A_50 = tpu.memref_slice %arg7[%mul3A_49] : memref<512xf32, #tpu.memory_space<vmem>> -> memref<128xf32, #tpu.memory_space<vmem>>
      %dma_start3A_51 = tpu.memref_slice %arg6[%mul3A_47] : memref<512xi32, #tpu.memory_space<vmem>> -> memref<128xi32, #tpu.memory_space<vmem>>
      %dma_start3A_52 = arith.constant 0 : i32
      %dma_start3A_53 = tpu.memref_slice %arg3[%dma_start3A_52] : memref<1048576xf32, #tpu.memory_space<hbm>> -> memref<1048576xf32, #tpu.memory_space<hbm>>
      tpu.enqueue_indirect_dma source(%dma_start3A_53 : memref<1048576xf32, #tpu.memory_space<hbm>>) target(%dma_start3A_50 : memref<128xf32, #tpu.memory_space<vmem>>) offsets(%dma_start3A_51 : memref<128xi32, #tpu.memory_space<vmem>>) semaphore(%arg10 : memref<!tpu.dma_semaphore, #tpu.memory_space<semaphore_mem>>)
    }
    %scan3A_38 = arith.constant 4 : i32
    %dma_wait3A_39 = arith.constant 0 : i32
    %dma_wait3A_40 = tpu.memref_slice %arg3[%dma_wait3A_39] : memref<1048576xf32, #tpu.memory_space<hbm>> -> memref<1048576xf32, #tpu.memory_space<hbm>>
    tpu.wait_indirect_dma semaphore(%arg10 : memref<!tpu.dma_semaphore, #tpu.memory_space<semaphore_mem>>) src(%dma_wait3A_40 : memref<1048576xf32, #tpu.memory_space<hbm>>) dst(%arg7 : memref<512xf32, #tpu.memory_space<vmem>>)
    "tpu.region"() ({
      %run_scoped3A = tpu.sem_alloc : memref<!tpu.dma_semaphore, #tpu.memory_space<semaphore_mem>>
      %dma_start3A_41 = tpu.memref_slice %arg4[%mul3A_2] : memref<16384xf32, #tpu.memory_space<hbm>> -> memref<512xf32, #tpu.memory_space<hbm>>
      %dma_start3A_42 = tpu.memref_slice %arg4[%mul3A_2] : memref<16384xf32, #tpu.memory_space<hbm>> -> memref<512xf32, #tpu.memory_space<hbm>>
      tpu.enqueue_dma source(%arg7 : memref<512xf32, #tpu.memory_space<vmem>>) target(%dma_start3A_42 : memref<512xf32, #tpu.memory_space<hbm>>) target_semaphore(%run_scoped3A : memref<!tpu.dma_semaphore, #tpu.memory_space<semaphore_mem>>)
      %dma_wait3A_43 = tpu.memref_slice %arg4[%mul3A_2] : memref<16384xf32, #tpu.memory_space<hbm>> -> memref<512xf32, #tpu.memory_space<hbm>>
      %dma_wait3A_44 = tpu.memref_slice %arg4[%mul3A_2] : memref<16384xf32, #tpu.memory_space<hbm>> -> memref<512xf32, #tpu.memory_space<hbm>>
      tpu.wait_dma2 semaphore(%run_scoped3A : memref<!tpu.dma_semaphore, #tpu.memory_space<semaphore_mem>>) src(%arg7 : memref<512xf32, #tpu.memory_space<vmem>>) dst(%dma_wait3A_44 : memref<512xf32, #tpu.memory_space<hbm>>)
      tpu.yield
    }) : () -> ()
    return
  }
}

</mosaic_0001>

<sc_bundles>
// kernel: _ewf.3.cloned.1.call-start
scs
__scs_entry_jumppad:
0x0: {  	(pc) =	sbr.rel $0x88, $3  }
0x1: {  	(tag) =	ssettag $0x0;
	lr =	simm.s32 $0x1  }
0x2: {  	[smem:$0x3F9F] =	sst lr;
	_ =	strace $0xD0000000  }
0x3: {  	_ = 	snop  }
0x4: {  	_ = 	snop  }
0x5: {  	_ = 	snop  }
0x6: {  	_ = 	snop  }
0x7: {  	_ = 	snop  }
__scs_overlays_trampoline_lowered:
0x8: {  	[smem:$0x3FAE] =	sst s0  }
0x9: {  	[smem:$0x3FAF] =	sst s1  }
0xa: {  	[smem:$0x3FB0] =	sst s2  }
0xb: {  	[smem:$0x3FB1] =	sst s3  }
0xc: {  	[smem:$0x3FB2] =	sst s4  }
0xd: {  	[smem:$0x3FB3] =	sst s5  }
0xe: {  	[smem:$0x3FB4] =	sst s6  }
0xf: {  	[smem:$0x3FB5] =	sst s7  }
0x10: {  	[smem:$0x3FB6] =	sst s8  }
0x11: {  	[smem:$0x3FB7] =	sst s9;
	s0 =	simm.s32 @!p0 $0x0  }
0x12: {  	s1 =	sld [smem:$0x3F9D];
	s0 =	simm.s32 @p0 $0x1  }
0x13: {  	[smem:$0x3FB8] =	sst s0;
	s0 =	simm.s32 @!p1 $0x0  }
0x14: {  	s2 =	sld [smem:$0x3F9C];
	s0 =	simm.s32 @p1 $0x1  }
0x15: {  	[smem:$0x3FB9] =	sst s0;
	s0 =	simm.s32 @!p2 $0x0  }
0x16: {  	s3 =	sld [smem:$0x3FDB];
	s0 =	simm.s32 @p2 $0x1  }
0x17: {  	s4 =	simm.s32 $0x1BF5;
	[smem:$0x3FBB] =	sst s0  }
0x18: {  	s0 =	sld [smem:$0x3F9E];
	_ =	swait.ge [sflag:s4], $0x0  }
0x19: {  	s7 =	sld [smem:$0x3F9F]  }
0x1a: {  	s8 =	sadd.s32 $0xFFFFE003, lr  }
0x1b: {  	s9 =	sadd.s32 $0xFFFFFEF7, lr;
	s5 =	simm.s32 $0xFFFFFFFF;
	p2 =	slt.u32 s8, $0xFFFFF086  }
0x1c: {  	p1 =	slt.u32 s9, $0xF7A;
	s5 =	simm.s32 @!p2 $0x0  }
0x1d: {  	s5 =	simm.s32 @p1 $0x1;
	p0 =	seq.s32 s7, s2  }
0x1e: {  	s7 =	smul.u32 @!p0 $0xF7A, s2;
	p2 =	seq.s32 @!p0 s5, $0x0  }
0x1f: {  	s9 =	smul.u32 $0xF7A, s1;
	s8 =	simm.s32 @!p0 $0x1BF5;
	p2 =	por !p2, p0  }
0x20: {  	[sflag:s8] =	ssyncset.s32 @!p0 $0xFFFFF086;
	s6 =	sadd.s32 @!p0 s3, s7;
	s7 =	simm.s32 @!p0 $0x108  }
0x21: {  	s3 =	sadd.s32 s3, s9;
	s6 =	sadd.s32 @!p0 $0x88, s6;
	s7 =	simm.s32 @p2 $0x1082  }
0x22: {  	[simem:s7], [sflag:s8] =	dma.local @!p0 [hbm:s6], $0xF7A  }
0x23: {  	s9 =	sor.u32 $0xD0000000, s2;
	s6 =	simm.s32 $0x108;
	_ =	swait.ge @!p0 [sflag:s8], $0x0  }
0x24: {  	s3 =	sadd.s32 $0x88, s3;
	s6 =	simm.s32 @!p1 $0x1082;
	[sflag:s4] =	ssyncset.s32 $0xFFFFF086  }
0x25: {  	[simem:s6], [sflag:s4] =	dma.local [hbm:s3], $0xF7A  }
0x26: {  	[smem:$0x3F9F] =	sst s1;
	(tag) =	ssettag s2;
	_ =	strace s9  }
0x27: {  	s1 =	sld [smem:$0x3FAF]  }
0x28: {  	s2 =	sld [smem:$0x3FB0]  }
0x29: {  	s4 =	sld [smem:$0x3FB2]  }
0x2a: {  	p0 =	seq.s32 s5, $0x0;
	s5 =	sld [smem:$0x3FB3]  }
0x2b: {  	s6 =	sld [smem:$0x3FB4]  }
0x2c: {  	s7 =	sld [smem:$0x3FB5]  }
0x2d: {  	s3 =	simm.s32 $0x108;
	s8 =	sld [smem:$0x3FB6]  }
0x2e: {  	s3 =	simm.s32 @!p0 $0x1082;
	s9 =	sld [smem:$0x3FB7]  }
0x2f: {  	lr =	sadd.s32 s0, s3;
	s0 =	sld [smem:$0x3FAE]  }
0x30: {  	s3 =	sld [smem:$0x3FB1]  }
0x31: {  	[smem:$0x3FBA] =	sst s10  }
0x32: {  	s10 =	sld [smem:$0x3FB8];
	_ =	sdelay $0x3  }
0x33: {  	p0 =	seq.s32 s10, $0x1;
	s10 =	sld [smem:$0x3FBA];
	_ =	sdelay $0x3  }
0x34: {  	[smem:$0x3FBA] =	sst s10  }
0x35: {  	s10 =	sld [smem:$0x3FB9];
	_ =	sdelay $0x3  }
0x36: {  	p1 =	seq.s32 s10, $0x1;
	s10 =	sld [smem:$0x3FBA];
	_ =	sdelay $0x3  }
0x37: {  	[smem:$0x3FBA] =	sst s10  }
0x38: {  	s10 =	sld [smem:$0x3FBB]  }
0x39: {  	_ = 	snop;
	(pc) =	sbr.ind lr, $3  }
0x3a: {  	_ = 	snop  }
0x3b: {  	_ = 	snop  }
0x3c: {  	p2 =	seq.s32 s10, $0x1;
	s10 =	sld [smem:$0x3FBA]  }
0x3d: {  	_ =	shalt  }
0x3e: {  	_ =	shalt  }
0x3f: {  	_ =	shalt  }
0x40: {  	_ =	shalt  }
0x41: {  	_ =	shalt  }
0x42: {  	_ =	shalt  }
0x43: {  	_ =	shalt  }
0x44: {  	_ =	shalt  }
0x45: {  	_ =	shalt  }
0x46: {  	_ =	shalt  }
0x47: {  	_ =	shalt  }
0x48: {  	_ =	shalt  }
0x49: {  	_ =	shalt  }
0x4a: {  	_ =	shalt  }
0x4b: {  	_ =	shalt  }
0x4c: {  	_ =	shalt  }
0x4d: {  	_ =	shalt  }
0x4e: {  	_ =	shalt  }
0x4f: {  	_ =	shalt  }
0x50: {  	_ =	shalt  }
0x51: {  	_ =	shalt  }
0x52: {  	_ =	shalt  }
0x53: {  	_ =	shalt  }
0x54: {  	_ =	shalt  }
0x55: {  	_ =	shalt  }
0x56: {  	_ =	shalt  }
0x57: {  	_ =	shalt  }
0x58: {  	_ =	shalt  }
0x59: {  	_ =	shalt  }
0x5a: {  	_ =	shalt  }
0x5b: {  	_ =	shalt  }
0x5c: {  	_ =	shalt  }
0x5d: {  	_ =	shalt  }
0x5e: {  	_ =	shalt  }
0x5f: {  	_ =	shalt  }
0x60: {  	_ =	shalt  }
0x61: {  	_ =	shalt  }
0x62: {  	_ =	shalt  }
0x63: {  	_ =	shalt  }
0x64: {  	_ =	shalt  }
0x65: {  	_ =	shalt  }
0x66: {  	_ =	shalt  }
0x67: {  	_ =	shalt  }
0x68: {  	_ =	shalt  }
0x69: {  	_ =	shalt  }
0x6a: {  	_ =	shalt  }
0x6b: {  	_ =	shalt  }
0x6c: {  	_ =	shalt  }
0x6d: {  	_ =	shalt  }
0x6e: {  	_ =	shalt  }
0x6f: {  	_ =	shalt  }
0x70: {  	_ =	shalt  }
0x71: {  	_ =	shalt  }
0x72: {  	_ =	shalt  }
0x73: {  	_ =	shalt  }
0x74: {  	_ =	shalt  }
0x75: {  	_ =	shalt  }
0x76: {  	_ =	shalt  }
0x77: {  	_ =	shalt  }
0x78: {  	_ =	shalt  }
0x79: {  	_ =	shalt  }
0x7a: {  	_ =	shalt  }
0x7b: {  	_ =	shalt  }
0x7c: {  	_ =	shalt  }
0x7d: {  	_ =	shalt  }
0x7e: {  	_ =	shalt  }
0x7f: {  	_ =	shalt  }
0x80: {  	_ =	shalt  }
0x81: {  	_ =	shalt  }
0x82: {  	_ =	shalt  }
0x83: {  	_ =	shalt  }
0x84: {  	_ =	shalt  }
0x85: {  	_ =	shalt  }
0x86: {  	_ =	shalt  }
0x87: {  	_ =	shalt  }
.Lfunc_end0:
.L_simem_size_0:
called_computation_lowered:
.L_overlay_start_0:
0x88: {  	s2 =	sld [smem:$0x3FD9]  }
0x89: {  	s3 =	sld [smem:$0x3FFE];
	_ =	sdelay $0x1  }
0x8a: {  	s1 =	srdreg.scid  }
0x8b: {  	s0 =	sand.u32 $0x1, s1  }
0x8c: {  	s18 =	sshll.u32 s0, $0xA;
	s2 =	sadd.s32 s3, s2  }
0x8d: {  	s2 =	sadd.s32 s2, s18  }
0x8e: {  	[smem:$0x3FC6] =	sst s2  }
0x8f: {  	_ = 	snop  }
0x90: {  	s2 =	sld [smem:$0x3FC9]  }
0x91: {  	s19 =	sld [smem:$0x3FC8]  }
0x92: {  	s4 =	sld [smem:$0x3FD0];
	(tm) =	ssettm $0x1  }
0x93: {  	s5 =	sld [smem:$0x3FFB];
	_ =	sdelay $0x3  }
0x94: {  	_ =	strace s5  }
0x95: {  	s5 =	sld [smem:$0x3FFC];
	_ =	sdelay $0x3  }
0x96: {  	_ =	strace s5  }
0x97: {  	s5 =	sld [smem:$0x3FFD];
	_ =	sdelay $0x3  }
0x98: {  	_ =	strace s5  }
0x99: {  	_ =	strace $0x8FFFFFFF  }
0x9a: {  	s20 =	sld [smem:$0x3FDB];
	_ =	sdelay $0x1  }
0x9b: {  	s6 =	simm.s32 $_scs_section_size  }
0x9c: {  	s7 =	simm.s32 $_size__tile_overlayer_lowered;
	s8 =	simm.s32 $_tile_overlayer_lowered  }
0x9d: {  	s23 =	simm.s32 $0x1BFF;
	s22 =	sshll.u32 s8, $0x1;
	s5 =	sadd.s32 s6, s20  }
0x9e: {  	s9 =	simm.s32 $0x0;
	s21 =	sshll.u32 s7, $0x1;
	s7 =	sadd.s32 s22, s5  }
0x9f: {  	[timem:s9], [sflag:s23] =	dma.local [hbm:s7], s21  }
0xa0: {  	_ =	swait.ge [sflag:s23], s21  }
0xa1: {  	s6 =	ssub.s32 $0x0, s21;
	[sflag:s23] =	ssyncset.done $0x0  }
0xa2: {  	[sflag:s23] =	ssyncadd.s32 s6;
	_ =	sdelay $0x1  }
0xa3: {  	s24 =	simm.s32 $0x1B8B  }
0xa4: {  	_ =	swait.ge [sflag:s24], $0x1  }
0xa5: {  	[sflag:s24] =	ssyncset.done $0x0  }
0xa6: {  	s25 =	simm.s32 $0x1B8E;
	[sflag:s24] =	ssyncadd.s32 $0xFFFFFFFF  }
0xa7: {  	s26 =	simm.s32 $execute0_lowered;
	[smem:$0x3FD2] =	sst s25  }
0xa8: {  	s6 =	sshll.u32 s26, $0x1;
	_ =	strace $0x80000046;
	[dreg:$0x1] =	wrdreg $0xFFFFFFFF  }
0xa9: {  	s28 =	simm.s32 $_size_execute0_lowered;
	s5 =	sadd.s32 s5, s6;
	[dreg:$0x0] =	wrdreg $0x0  }
0xaa: {  	s6 =	sshll.u32 s28, $0x1;
	[dreg:$0x2] =	wrdreg s5  }
0xab: {  	[dreg:$0x3] =	wrdreg s6  }
0xac: {  	[dreg:$0x4] =	wrdreg $0xC0  }
0xad: {  	_ =	task [dreg:s9], $0x5FFFF  }
0xae: {  	[dreg:$0x1] =	wrdreg $0xFFFFFFFF  }
0xaf: {  	[dreg:$0x0] =	wrdreg $0x60  }
0xb0: {  	[dreg:$0x2] =	wrdreg s2  }
0xb1: {  	[dreg:$0x3] =	wrdreg s19  }
0xb2: {  	[dreg:$0x4] =	wrdreg s4  }
0xb3: {  	[dreg:$0x5] =	wrdreg $0x9  }
0xb4: {  	_ =	task.clear_ibuf [dreg:s9], $0x6FFFF;
	_ =	strace $0x90000046  }
0xb5: {  	s29 =	simm.s32 $0x9;
	_ =	strace $0x80000048  }
0xb6: {  	_ =	swait.ge [sflag:s29], $0x1  }
0xb7: {  	[sflag:s29] =	ssyncadd.s32 $0xFFFFFFFF  }
0xb8: {  	_ =	strace $0x90000048  }
0xb9: {  	_ =	sfence  }
0xba: {  	s30 =	sld [smem:$0x0];
	_ =	sdelay $0x2  }
0xbb: {  	s31 =	sshll.u32 s1, $0xD;
	s1 =	sshrl.u32 s1, $0x2  }
0xbc: {  	s3 =	sand.u32 $0x4000, s31;
	s1 =	sadd.s32 s1, s30  }
0xbd: {  	s0 =	sor.u32 s3, s0;
	s1 =	sshll.u32 s1, $0x11  }
0xbe: {  	s0 =	sor.u32 s1, s0  }
0xbf: {  	s0 =	sadd.s32 $0x8F2B, s0  }
0xc0: {  	[sflag:s0] =	ssyncadd.remote.s32 $0x1  }
0xc1: {  	_ =	sfence.sel $0xFFFF  }
0xc2: {  	[dreg:$0x0] =	wrdreg $0xFFFFFFFF;
	(pc) =	sbr.abs _section_cstart, $3  }
0xc3: {  	[dreg:$0x1] =	wrdreg $0xFFFFFFFF  }
0xc4: {  	_ =	task.clear_ibuf [dreg:s9], $0x2FFFF;
	_ =	strace $0x9FFFFFFF  }
0xc5: {  	(tm) =	ssettm $0x7FFFFFFF  }
tec
execute0_lowered:
.L_overlay_start_1:
0x0: {  	(tag) =	ssettag $0x1  }
0x1: {  	s4 =	rddreg [dreg:$0x0]  }
0x2: {  	s1 =	rddreg [dreg:$0x1]  }
0x3: {  	s6 =	rddreg [dreg:$0x2]  }
0x4: {  	s0 =	rddreg [dreg:$0x3];
	s3 =	simm.s32 $0x0;
	s5 =	srdreg.scid  }
0x5: {  	s2 =	stileid.u32;
	s12 =	simm.s32 $0x1000;
	s13 =	simm.s32 $0x2000  }
0x6: {  	s14 =	simm.s32 $0x400;
	s15 =	simm.s32 $0x1400;
	s16 =	simm.s32 $0x2400  }
0x7: {  	s17 =	simm.s32 $0x1;
	s18 =	simm.s32 $0x80;
	s19 =	simm.s32 $0x3  }
0x8: {  	s20 =	simm.s32 $0x3200;
	s21 =	simm.s32 $0x4;
	s5 =	sand.u32 $0x1, s5  }
0x9: {  	s8 =	sshll.u32 s2, $0xA;
	s7 =	ssub.s32 $0x2, s5;
	s5 =	sshll.u32 s5, $0x9  }
0xa: {  	s22 =	simm.s32 $0x0;
	[smem:$0x7FF] =	sst s3;
	s5 =	sor.u32 s5, s8  }
0xb: {  	_ =	strace $0x80000047;
	s9 =	sshrl.u32 s7, $0x1;
	s4 =	sadd.s32 s4, s5  }
0xc: {  	s7 =	ssub.s32 s7, s9;
	s8 =	sshrl.u32 s5, $0x3;
	s5 =	sadd.s32 $0x80, s4  }
0xd: {  	s6 =	sadd.s32 s6, s8;
	s7 =	smax.u32 s7, $0x1;
	s8 =	sadd.s32 $0x4000, s4  }
0xe: {  	s9 =	sadd.s32 $0x8000, s4;
	s10 =	sadd.s32 $0x4080, s4;
	s11 =	sadd.s32 $0x8080, s4  }
.LBB2_1:
0xf: {  	[tilespmem:s3], [sflag:$0x1] =	stream.linear.gather [hbm4b:s4+s3], $0x400, $0x38;
	[tilespmem:$0x3400] =	vst v63  }
0x10: {  	_ = 	snop  }
0x11: {  	[tilespmem:s12], [sflag:$0x1] =	stream.linear.gather [hbm4b:s8+s3], $0x400, $0x38;
	[tilespmem:$0x3400] =	vst v63  }
0x12: {  	_ = 	snop  }
0x13: {  	[tilespmem:s13], [sflag:$0x1] =	stream.linear.gather [hbm4b:s9+s3], $0x400, $0x38;
	[tilespmem:$0x3400] =	vst v63  }
0x14: {  	_ = 	snop  }
0x15: {  	[tilespmem:s14], [sflag:$0x2] =	stream.linear.gather [hbm4b:s5+s3], $0xC00, $0x38;
	[tilespmem:$0x3400] =	vst v63  }
0x16: {  	_ = 	snop  }
0x17: {  	[tilespmem:s15], [sflag:$0x2] =	stream.linear.gather [hbm4b:s10+s3], $0xC00, $0x38;
	[tilespmem:$0x3400] =	vst v63  }
0x18: {  	_ = 	snop  }
0x19: {  	[tilespmem:s16], [sflag:$0x2] =	stream.linear.gather [hbm4b:s11+s3], $0xC00, $0x38;
	[tilespmem:$0x3400] =	vst v63  }
0x1a: {  	_ =	swait.ge [sflag:s17], $0xC00  }
0x1b: {  	s23 =	simm.s32 $0x3000;
	[sflag:s17] =	ssyncset.done $0x0  }
0x1c: {  	s24 =	simm.s32 $0x0;
	s25 =	simm.s32 $0x0;
	[sflag:s17] =	ssyncadd.s32 $0xFFFFF400  }
.LBB2_2:
0x1d: {  	p0 =	sne.s32 s25, $0x1;
	v0 =	vmov s24  }
0x1e: {  	s26 =	simm.s32 @!p0 $0x2  }
0x1f: {  	_ =	swait.ge @!p0 [sflag:s26], $0x2400  }
0x20: {  	[sflag:s26] =	ssyncset.done @!p0 $0x0  }
0x21: {  	[sflag:s26] =	ssyncadd.s32 @!p0 $0xFFFFDC00;
	s26 =	simm.s32 $0x0  }
0x22: {  	v1 =	vld.idx.msk [tilespmem:v0+s26+$0x2080 ss:$0x1], $0xffff  }
0x23: {  	v2 =	vld.idx.msk [tilespmem:v0+s26+$0x1200 ss:$0x1], $0xffff  }
0x24: {  	v3 =	vld.idx.msk [tilespmem:v0+s26+$0x1280 ss:$0x1], $0xffff  }
0x25: {  	v4 =	vld.idx.msk [tilespmem:v0+s26+$0x1000 ss:$0x1], $0xffff  }
0x26: {  	v5 =	vld.idx.msk [tilespmem:v0+s26+$0x1080 ss:$0x1], $0xffff  }
0x27: {  	v6 =	vld.idx.msk [tilespmem:v0+s26+$0x200 ss:$0x1], $0xffff  }
0x28: {  	v7 =	vld.idx.msk [tilespmem:v0+s26+$0x280 ss:$0x1], $0xffff  }
0x29: {  	v8 =	vld.idx.msk [tilespmem:v0+s26+$0x0 ss:$0x1], $0xffff  }
0x2a: {  	v9 =	vld.idx.msk [tilespmem:v0+s26+$0x80 ss:$0x1], $0xffff  }
0x2b: {  	v10 =	vld.idx.msk [tilespmem:v0+s26+$0x100 ss:$0x1], $0xffff  }
0x2c: {  	v11 =	vld.idx.msk [tilespmem:v0+s26+$0x180 ss:$0x1], $0xffff  }
0x2d: {  	v12 =	vld.idx.msk [tilespmem:v0+s26+$0x300 ss:$0x1], $0xffff  }
0x2e: {  	v13 =	vld.idx.msk [tilespmem:v0+s26+$0x380 ss:$0x1], $0xffff;
	v14 =	vmul.f32 $6.400000000e+01, v2;
	v15 =	vmul.f32 $3.200000000e+01, v3  }
0x2f: {  	v16 =	vld.idx.msk [tilespmem:v0+s26+$0x1300 ss:$0x1], $0xffff;
	v4 =	vmul.f32 $1.024000000e+03, v4;
	v6 =	vmul.f32 $1.638400000e+04, v6  }
0x30: {  	v2 =	vld.idx.msk [tilespmem:v0+s26+$0x1100 ss:$0x1], $0xffff;
	v7 =	vmul.f32 $8.192000000e+03, v7;
	v8 =	vmul.f32 $2.621440000e+05, v8  }
0x31: {  	v3 =	vld.idx.msk [tilespmem:v0+s26+$0x1180 ss:$0x1], $0xffff;
	v9 =	vmul.f32 $1.310720000e+05, v9;
	v10 =	vmul.f32 $6.553600000e+04, v10  }
0x32: {  	v17 =	vld.idx.msk [tilespmem:v0+s26+$0x1380 ss:$0x1], $0xffff;
	v11 =	vmul.f32 $3.276800000e+04, v11;
	v1 =	vadd.f32 v1, v1;
	v8 =	vadd.f32 $0.0e+00, v8  }
0x33: {  	v18 =	vld.idx.msk [tilespmem:v0+s26+$0x2000 ss:$0x1], $0xffff;
	v12 =	vmul.f32 $4.096000000e+03, v12;
	v9 =	vadd.f32 $0.0e+00, v9;
	v10 =	vadd.f32 $0.0e+00, v10  }
0x34: {  	v19 =	vld.idx.msk [tilespmem:v0+s26+$0x2180 ss:$0x1], $0xffff;
	v13 =	vmul.f32 $2.048000000e+03, v13;
	v11 =	vadd.f32 $0.0e+00, v11;
	v6 =	vadd.f32 v6, v8  }
0x35: {  	s28 =	simm.s32 $0x10;
	v20 =	vld.idx.msk [tilespmem:v0+s26+$0x2100 ss:$0x1], $0xffff;
	v5 =	vmul.f32 $5.120000000e+02, v5;
	v7 =	vadd.f32 v7, v9;
	v9 =	vadd.f32 v12, v10  }
0x36: {  	v10 =	vadd.f32 v13, v11;
	v8 =	vmul.f32 $2.560000000e+02, v2;
	v2 =	vld.idx.msk [tilespmem:v0+s28+$0x2080 ss:$0x1], $0xffff;
	v11 =	vmul.f32 $1.280000000e+02, v3  }
0x37: {  	v3 =	vld.idx.msk [tilespmem:v0+s28+$0x1200 ss:$0x1], $0xffff;
	v12 =	vadd.f32 v4, v6;
	v5 =	vadd.f32 v5, v7;
	v7 =	vmul.f32 $1.600000000e+01, v16  }
0x38: {  	v4 =	vld.idx.msk [tilespmem:v0+s28+$0x1280 ss:$0x1], $0xffff;
	v9 =	vadd.f32 v8, v9;
	v10 =	vadd.f32 v11, v10;
	v11 =	vmul.f32 $8.000000000e+00, v17  }
0x39: {  	v13 =	vmul.f32 $4.000000000e+00, v18;
	v6 =	vld.idx.msk [tilespmem:v0+s28+$0x1000 ss:$0x1], $0xffff;
	v12 =	vadd.f32 v14, v12;
	v5 =	vadd.f32 v15, v5  }
0x3a: {  	v8 =	vld.idx.msk [tilespmem:v0+s28+$0x1080 ss:$0x1], $0xffff;
	v14 =	vmul.f32 $5.000000000e-01, v19;
	v7 =	vadd.f32 v7, v9;
	v11 =	vadd.f32 v11, v10  }
0x3b: {  	v9 =	vld.idx.msk [tilespmem:v0+s28+$0x200 ss:$0x1], $0xffff;
	v12 =	vadd.f32 v13, v12;
	v5 =	vadd.f32 v1, v5  }
0x3c: {  	v10 =	vld.idx.msk [tilespmem:v0+s28+$0x280 ss:$0x1], $0xffff;
	v7 =	vadd.f32 v20, v7;
	v14 =	vadd.f32 v14, v11  }
0x3d: {  	v13 =	vld.idx.msk [tilespmem:v0+s28+$0x0 ss:$0x1], $0xffff  }
0x3e: {  	v11 =	vld.idx.msk [tilespmem:v0+s28+$0x80 ss:$0x1], $0xffff;
	v5 =	vadd.f32 v5, v12;
	v7 =	vadd.f32 v14, v7  }
0x3f: {  	s29 =	simm.s32 $0x80;
	v1 =	vmov s23;
	v12 =	vld.idx.msk [tilespmem:v0+s28+$0x100 ss:$0x1], $0xffff  }
.LBB2_3:
0x40: {  	p0 =	sne.s32 s29, $0x1C0;
	v14 =	vld.idx.msk [tilespmem:v0+s28+$0x180 ss:$0x1], $0xffff;
	v5 =	vadd.f32 v7, v5  }
0x41: {  	v15 =	vmul.f32 $6.400000000e+01, v3;
	v16 =	vmul.f32 $3.200000000e+01, v4;
	v7 =	vld.idx.msk [tilespmem:v0+s28+$0x300 ss:$0x1], $0xffff  }
0x42: {  	v4 =	vmul.f32 $1.024000000e+03, v6;
	v6 =	vmul.f32 $5.120000000e+02, v8;
	v3 =	vld.idx.msk [tilespmem:v0+s28+$0x380 ss:$0x1], $0xffff;
	v5 =	vadd.f32 $5.242875000e+05, v5  }
0x43: {  	v8 =	vmul.f32 $1.638400000e+04, v9;
	v9 =	vmul.f32 $8.192000000e+03, v10;
	v10 =	vld.idx.msk [tilespmem:v0+s28+$0x1100 ss:$0x1], $0xffff  }
0x44: {  	v13 =	vmul.f32 $2.621440000e+05, v13;
	v17 =	vld.idx.msk [tilespmem:v0+s28+$0x1180 ss:$0x1], $0xffff;
	v5 =	vtrunc.f32 v5  }
0x45: {  	v11 =	vmul.f32 $1.310720000e+05, v11;
	v18 =	vld.idx.msk [tilespmem:v0+s28+$0x1300 ss:$0x1], $0xffff;
	v5 =	vcvt.f32.s32 v5  }
0x46: {  	v20 =	vadd.f32 v2, v2;
	v12 =	vmul.f32 $6.553600000e+04, v12;
	v14 =	vmul.f32 $3.276800000e+04, v14;
	v19 =	vld.idx.msk [tilespmem:v0+s28+$0x1380 ss:$0x1], $0xffff  }
0x47: {  	v2 =	vadd.f32 $0.0e+00, v13;
	v11 =	vadd.f32 $0.0e+00, v11;
	v7 =	vmul.f32 $4.096000000e+03, v7;
	v13 =	vld.idx.msk [tilespmem:v0+s28+$0x2000 ss:$0x1], $0xffff;
	[tilespmem:v1+s26+$0x0 ss:$0x1] =	vst.idx.msk $0xffff, v5;
	s26 =	smov.u32 s28  }
0x48: {  	v5 =	vadd.f32 $0.0e+00, v12;
	v12 =	vadd.f32 $0.0e+00, v14;
	v3 =	vmul.f32 $2.048000000e+03, v3;
	v14 =	vld.idx.msk [tilespmem:v0+s26+$0x2180 ss:$0x1], $0xffff  }
0x49: {  	v8 =	vadd.f32 v8, v2;
	s28 =	sshra.s32 s29, $0x2;
	v9 =	vadd.f32 v9, v11;
	v10 =	vmul.f32 $2.560000000e+02, v10;
	v11 =	vld.idx.msk [tilespmem:v0+s26+$0x2100 ss:$0x1], $0xffff  }
0x4a: {  	v5 =	vadd.f32 v7, v5;
	v7 =	vadd.f32 v3, v12;
	v12 =	vmul.f32 $1.280000000e+02, v17;
	v2 =	vld.idx.msk [tilespmem:v0+s28+$0x2080 ss:$0x1], $0xffff  }
0x4b: {  	v8 =	vadd.f32 v4, v8;
	v9 =	vadd.f32 v6, v9;
	v17 =	vmul.f32 $1.600000000e+01, v18;
	v3 =	vld.idx.msk [tilespmem:v0+s28+$0x1200 ss:$0x1], $0xffff  }
0x4c: {  	v5 =	vadd.f32 v10, v5;
	v7 =	vadd.f32 v12, v7;
	v10 =	vmul.f32 $8.000000000e+00, v19;
	v4 =	vld.idx.msk [tilespmem:v0+s28+$0x1280 ss:$0x1], $0xffff  }
0x4d: {  	v12 =	vadd.f32 v15, v8;
	v15 =	vadd.f32 v16, v9;
	v13 =	vmul.f32 $4.000000000e+00, v13;
	v6 =	vld.idx.msk [tilespmem:v0+s28+$0x1000 ss:$0x1], $0xffff  }
0x4e: {  	v5 =	vadd.f32 v17, v5;
	v7 =	vadd.f32 v10, v7;
	v14 =	vmul.f32 $5.000000000e-01, v14;
	v8 =	vld.idx.msk [tilespmem:v0+s28+$0x1080 ss:$0x1], $0xffff  }
.Ltmp0:
0x4f: {  	v15 =	vadd.f32 v20, v15;
	v12 =	vadd.f32 v13, v12;
	v9 =	vld.idx.msk [tilespmem:v0+s28+$0x200 ss:$0x1], $0xffff;
	(pc) =	sbr.rel @p0 .LBB2_3-.Ltmp0, $4  }
0x50: {  	v16 =	vadd.f32 v11, v5;
	v7 =	vadd.f32 v14, v7;
	v10 =	vld.idx.msk [tilespmem:v0+s28+$0x280 ss:$0x1], $0xffff  }
0x51: {  	v13 =	vld.idx.msk [tilespmem:v0+s28+$0x0 ss:$0x1], $0xffff  }
0x52: {  	v5 =	vadd.f32 v15, v12;
	v7 =	vadd.f32 v7, v16;
	v11 =	vld.idx.msk [tilespmem:v0+s28+$0x80 ss:$0x1], $0xffff  }
0x53: {  	s29 =	sadd.s32 $0x40, s29;
	v12 =	vld.idx.msk [tilespmem:v0+s28+$0x100 ss:$0x1], $0xffff  }
0x54: {  	_ =	sdelay $0x3  }
0x55: {  	v14 =	vld.idx.msk [tilespmem:v0+s28+$0x180 ss:$0x1], $0xffff  }
0x56: {  	v15 =	vld.idx.msk [tilespmem:v0+s28+$0x300 ss:$0x1], $0xffff;
	v3 =	vmul.f32 $6.400000000e+01, v3;
	v4 =	vmul.f32 $3.200000000e+01, v4  }
0x57: {  	v16 =	vld.idx.msk [tilespmem:v0+s28+$0x380 ss:$0x1], $0xffff;
	v6 =	vmul.f32 $1.024000000e+03, v6;
	v8 =	vmul.f32 $5.120000000e+02, v8  }
0x58: {  	v9 =	vmul.f32 $1.638400000e+04, v9;
	v17 =	vld.idx.msk [tilespmem:v0+s28+$0x1100 ss:$0x1], $0xffff;
	v10 =	vmul.f32 $8.192000000e+03, v10  }
0x59: {  	v18 =	vld.idx.msk [tilespmem:v0+s28+$0x1180 ss:$0x1], $0xffff;
	v13 =	vmul.f32 $2.621440000e+05, v13;
	v11 =	vmul.f32 $1.310720000e+05, v11  }
0x5a: {  	v19 =	vld.idx.msk [tilespmem:v0+s28+$0x1300 ss:$0x1], $0xffff;
	v2 =	vadd.f32 v2, v2;
	v12 =	vmul.f32 $6.553600000e+04, v12;
	v14 =	vmul.f32 $3.276800000e+04, v14  }
0x5b: {  	v20 =	vld.idx.msk [tilespmem:v0+s28+$0x1380 ss:$0x1], $0xffff;
	v13 =	vadd.f32 $0.0e+00, v13;
	v11 =	vadd.f32 $0.0e+00, v11;
	v15 =	vmul.f32 $4.096000000e+03, v15  }
0x5c: {  	v49 =	vld.idx.msk [tilespmem:v0+s28+$0x2000 ss:$0x1], $0xffff;
	v16 =	vmul.f32 $2.048000000e+03, v16;
	v12 =	vadd.f32 $0.0e+00, v12;
	v14 =	vadd.f32 $0.0e+00, v14  }
0x5d: {  	v50 =	vld.idx.msk [tilespmem:v0+s28+$0x2180 ss:$0x1], $0xffff;
	v17 =	vmul.f32 $2.560000000e+02, v17;
	v9 =	vadd.f32 v9, v13;
	v10 =	vadd.f32 v10, v11  }
0x5e: {  	v51 =	vmul.f32 $1.280000000e+02, v18;
	v12 =	vadd.f32 v15, v12;
	v14 =	vadd.f32 v16, v14  }
0x5f: {  	v52 =	vld.idx.msk [tilespmem:v0+s28+$0x2100 ss:$0x1], $0xffff;
	v53 =	vmul.f32 $1.600000000e+01, v19;
	v6 =	vadd.f32 v6, v9;
	v8 =	vadd.f32 v8, v10  }
0x60: {  	v56 =	vmul.f32 $8.000000000e+00, v20;
	v54 =	vadd.f32 v17, v12;
	v55 =	vadd.f32 v51, v14  }
0x61: {  	v57 =	vmul.f32 $4.000000000e+00, v49;
	v3 =	vadd.f32 v3, v6;
	v4 =	vadd.f32 v4, v8  }
0x62: {  	v60 =	vmul.f32 $5.000000000e-01, v50;
	v58 =	vadd.f32 v53, v54;
	v59 =	vadd.f32 v56, v55  }
0x63: {  	v3 =	vadd.f32 v57, v3;
	v2 =	vadd.f32 v2, v4  }
0x64: {  	v0 =	vadd.f32 v52, v58;
	v61 =	vadd.f32 v60, v59;
	_ =	sdelay $0x1  }
0x65: {  	v2 =	vadd.f32 v2, v3;
	v0 =	vadd.f32 v61, v0  }
0x66: {  	v62 =	vadd.f32 v7, v5  }
0x67: {  	v0 =	vadd.f32 v0, v2  }
0x68: {  	v63 =	vadd.f32 $5.242875000e+05, v62  }
0x69: {  	s30 =	sshll.u32 s25, $0x7;
	s25 =	sadd.s32 $0x1, s25;
	v0 =	vadd.f32 $5.242875000e+05, v0  }
0x6a: {  	p0 =	sne.s32 s25, $0x4;
	v2 =	vtrunc.f32 v63  }
.Ltmp1:
0x6b: {  	v2 =	vcvt.f32.s32 v2;
	v0 =	vtrunc.f32 v0;
	(pc) =	sbr.rel @p0 .LBB2_2-.Ltmp1, $4  }
0x6c: {  	v0 =	vcvt.f32.s32 v0  }
0x6d: {  	s23 =	sadd.s32 $0x80, s23;
	[tilespmem:v1+s26+$0x0 ss:$0x1] =	vst.idx.msk $0xffff, v2  }
0x6e: {  	s24 =	sadd.s32 $0x400, s24;
	s31 =	sadd.s32 $0x3200, s30;
	s26 =	sadd.s32 $0x3000, s30;
	[tilespmem:v1+s28+$0x0 ss:$0x1] =	vst.idx.msk $0xffff, v0  }
0x6f: {  	[tilespmem:s31], [sflag:$0x3] =	stream.indirect.gather [hbm4b:s1+s18], $0x1, s26, s18, $0xb8;
	[tilespmem:$0x3400] =	vst v63  }
0x70: {  	_ =	swait.ge [sflag:s19], $0x200;
	s22 =	sadd.s32 $0x1, s22  }
0x71: {  	[sflag:s19] =	ssyncset.done $0x0;
	p0 =	sne.s32 s22, s7  }
.Ltmp2:
0x72: {  	[sflag:s19] =	ssyncadd.s32 $0xFFFFFE00;
	(pc) =	sbr.rel @p0 .LBB2_1-.Ltmp2, $4  }
0x73: {  	[hbm4b:s6+s3] =	stream.linear.scatter [tilespmem:s20], [sflag:$0x4], $0x200, $0x38;
	[tilespmem:$0x3400] =	vst v63  }
0x74: {  	_ =	swait.ge [sflag:s21], $0x200  }
0x75: {  	[sflag:s21] =	ssyncset.done $0x0  }
0x76: {  	[sflag:s21] =	ssyncadd.s32 $0xFFFFFE00  }
0x77: {  	_ =	sfence.sel $0x180000  }
0x78: {  	[bflag:$0x0] =	sbarrier.arrive $0xFFFF  }
0x79: {  	p0 =	sne.s32 s2, $0x0;
	_ =	strace $0x90000047  }
0x7a: {  	s0 =	sadd.s32 @!p0 $0x100000, s0;
	[bflag:$0x2] =	sbarrier.arrive $0xFFFF  }
0x7b: {  	[sflag:s0] =	ssyncadd.tile.s32 @!p0 $0x1;
	_ =	shalt  }
.Lfunc_end2:
_tile_overlayer_lowered:
.L_overlay_start_2:
0x7c: {  	(tag) =	ssettag $0x2  }
0x7d: {  	s0 =	rddreg [dreg:$0x0];
	s2 =	stileid.u32  }
0x7e: {  	s1 =	rddreg [dreg:$0x1];
	p0 =	sne.s32 s2, $0x0  }
0x7f: {  	s3 =	rddreg [dreg:$0x2];
	[bflag:$0x3] =	sbarrier.arrive $0xFFFF;
	s2 =	simm.s32 @!p0 $0x1C04  }
0x80: {  	[timem:s3], [sflag:s2] =	dma.local @!p0 [hbm:s0], s1  }
0x81: {  	s0 =	simm.s32 @!p0 $0x4  }
0x82: {  	_ =	swait.ge @!p0 [sflag:s0], s1  }
0x83: {  	s1 =	ssub.s32 @!p0 $0x0, s1;
	[sflag:s0] =	ssyncset.done @!p0 $0x0  }
0x84: {  	[sflag:s0] =	ssyncadd.s32 @!p0 s1  }
0x85: {  	[bflag:$0x3] =	sbarrier.arrive $0xFFFF  }
0x86: {  	_ =	shalt  }

</sc_bundles>
